<compile_context>
chip_gen: v7x
topology: tpu7x:2x2x1
jax: 0.10.2.dev20260603
libtpu: 0.0.44.dev20260713+nightly
codegen_flags: <defaults>
</compile_context>

<pallas_src>
import functools

import jax
import jax.numpy as jnp
from jax import lax
from jax.experimental import pallas as pl
from jax.experimental.pallas import tpu as pltpu
from jax.experimental.pallas import tpu_sc as plsc

_IDX_CHUNK = 128
_VBLK = 16384


def _rowsum_body(tbl_ref, out_ref):
    s = jnp.sum(tbl_ref[...], axis=1)
    out_ref[...] = s.reshape(_VBLK // 128, 128)


def kernel(input, embeddings):
    V, D = embeddings.shape
    B = input.size

    nsteps = -(-V // _VBLK)
    Vpad = nsteps * _VBLK
    rowsums = pl.pallas_call(
        _rowsum_body,
        grid=(nsteps,),
        in_specs=[pl.BlockSpec((_VBLK, D), lambda i: (i, 0))],
        out_specs=pl.BlockSpec((_VBLK // 128, 128), lambda i: (i, 0)),
        out_shape=jax.ShapeDtypeStruct((Vpad // 128, 128), jnp.float32),
    )(embeddings)
    rowsums = rowsums.reshape(Vpad)

    info = plsc.get_sparse_core_info()
    NC, NS, L = info.num_cores, info.num_subcores, info.num_lanes
    NW = NC * NS
    bpw = B // NW
    nchunks = bpw // _IDX_CHUNK
    idx = input.reshape(B)

    @functools.partial(
        pl.kernel,
        mesh=plsc.VectorSubcoreMesh(core_axis_name="c", subcore_axis_name="s"),
        compiler_params=pltpu.CompilerParams(needs_layout_passes=False),
        out_type=jax.ShapeDtypeStruct((NW, L), jnp.float32),
        scratch_types=[
            pltpu.VMEM((bpw,), jnp.int32),
            pltpu.VMEM((bpw,), jnp.float32),
            pltpu.VMEM((L,), jnp.float32),
            pltpu.SemaphoreType.DMA,
        ],
    )
    def _gather_sum(idx_hbm, rs_hbm, out_hbm, idx_v, vals_v, acc_v, sem):
        wid = lax.axis_index("s") * NC + lax.axis_index("c")
        pltpu.sync_copy(idx_hbm.at[pl.ds(wid * bpw, bpw)], idx_v)

        def fire(j, carry):
            pltpu.make_async_copy(
                rs_hbm.at[idx_v.at[pl.ds(j * _IDX_CHUNK, _IDX_CHUNK)]],
                vals_v.at[pl.ds(j * _IDX_CHUNK, _IDX_CHUNK)],
                sem,
            ).start()
            return carry

        lax.fori_loop(0, nchunks, fire, 0)

        def drain(j, carry):
            pltpu.make_async_copy(
                rs_hbm.at[idx_v.at[pl.ds(j * _IDX_CHUNK, _IDX_CHUNK)]],
                vals_v.at[pl.ds(j * _IDX_CHUNK, _IDX_CHUNK)],
                sem,
            ).wait()
            return carry

        lax.fori_loop(0, nchunks, drain, 0)

        def body(j, acc):
            base = j * 4 * L
            for k in range(4):
                acc = acc + vals_v[pl.ds(base + k * L, L)]
            return acc

        acc = lax.fori_loop(
            0, bpw // (4 * L), body, jnp.zeros((L,), jnp.float32)
        )
        acc_v[...] = acc
        pltpu.sync_copy(acc_v, out_hbm.at[wid])

    partials = _gather_sum(idx, rowsums)
    return jnp.sum(partials) / jnp.float32(B * D)

# --- scband reference (transcript-rebuilt; emitter-appended) ---
"""Pipeline reference for scband-awe-encoder-59279138619433 (READ-ONLY COPY).

The authoritative reference and input builder live on the scoring server;
editing this copy changes nothing except your own understanding.
"""

import jax, jax.numpy as jnp
import numpy as np

VOCAB = 100000
EMBED_DIM = 128
BATCH = 4096
HIST_LEN = 50


def setup_inputs(seed: int = 0) -> dict:
    key = jax.random.key(seed)
    k1, k2 = jax.random.split(key)
    # forward arg: token indices
    input = jax.random.randint(k1, (BATCH, HIST_LEN), 0, VOCAB, dtype=jnp.int64 if jax.config.jax_enable_x64 else jnp.int32).astype(jnp.int32)
    # learned (frozen) parameter: pretrained embedding table
    embeddings = jax.random.normal(k2, (VOCAB, EMBED_DIM), dtype=jnp.float32)
    return {"input": input, "embeddings": embeddings}


def reference(input, embeddings):
    # nn.Embedding.from_pretrained lookup (gather rows)
    embeds = jnp.take(embeddings, input, axis=0)  # [B, L, D]
    # torch.mean(embeds) with no dim -> global scalar mean
    output = jnp.mean(embeds)
    return output

if __name__ == "__main__":
    import jax
    _d = setup_inputs()
    print(jax.jit(kernel)(*tuple(_d.values())))

</pallas_src>

<mosaic_0001>
#map = affine_map<(d0, d1) -> (0)>
#map1 = affine_map<(d0, d1) -> (0, 0)>
module attributes {stable_mosaic.version = 14 : i64} {
  func.func @_gather_sum(%arg0: i32, %arg1: i32, %arg2: memref<204800xi32, #tpu.memory_space<hbm>>, %arg3: memref<114688xf32, #tpu.memory_space<hbm>>, %arg4: memref<32x16xf32, #tpu.memory_space<hbm>>, %arg5: memref<6400xi32, #tpu.memory_space<vmem>>, %arg6: memref<6400xf32, #tpu.memory_space<vmem>>, %arg7: memref<16xf32, #tpu.memory_space<vmem>>, %arg8: memref<!tpu.dma_semaphore, #tpu.memory_space<semaphore_mem>>) attributes {dimension_semantics = [#tpu.dimension_semantics<core_parallel>, #tpu.dimension_semantics<subcore_parallel>], iteration_bounds = array<i64: 2, 16>, scalar_prefetch = 0 : i64, scratch_operands = 4 : i64, tpu.core_type = #tpu.core_type<sc_vector_subcore>, window_params = [{transform_indices = #map}, {transform_indices = #map}, {transform_indices = #map1}]} {
    %mul3A = arith.constant 2 : i32
    %mul3A_0 = arith.muli %arg1, %mul3A : i32
    %add3A = arith.addi %mul3A_0, %arg0 : i32
    %mul3A_1 = arith.constant 6400 : i32
    %mul3A_2 = arith.muli %add3A, %mul3A_1 : i32
    "tpu.region"() ({
      %run_scoped3A = tpu.sem_alloc : memref<!tpu.dma_semaphore, #tpu.memory_space<semaphore_mem>>
      %dma_start3A = tpu.memref_slice %arg2[%mul3A_2] : memref<204800xi32, #tpu.memory_space<hbm>> -> memref<6400xi32, #tpu.memory_space<hbm>>
      %dma_start3A_22 = tpu.memref_slice %arg2[%mul3A_2] : memref<204800xi32, #tpu.memory_space<hbm>> -> memref<6400xi32, #tpu.memory_space<hbm>>
      tpu.enqueue_dma source(%dma_start3A_22 : memref<6400xi32, #tpu.memory_space<hbm>>) target(%arg5 : memref<6400xi32, #tpu.memory_space<vmem>>) target_semaphore(%run_scoped3A : memref<!tpu.dma_semaphore, #tpu.memory_space<semaphore_mem>>)
      %dma_wait3A = tpu.memref_slice %arg2[%mul3A_2] : memref<204800xi32, #tpu.memory_space<hbm>> -> memref<6400xi32, #tpu.memory_space<hbm>>
      %dma_wait3A_23 = tpu.memref_slice %arg2[%mul3A_2] : memref<204800xi32, #tpu.memory_space<hbm>> -> memref<6400xi32, #tpu.memory_space<hbm>>
      tpu.wait_dma2 semaphore(%run_scoped3A : memref<!tpu.dma_semaphore, #tpu.memory_space<semaphore_mem>>) src(%dma_wait3A_23 : memref<6400xi32, #tpu.memory_space<hbm>>) dst(%arg5 : memref<6400xi32, #tpu.memory_space<vmem>>)
      tpu.yield
    }) : () -> ()
    %scan3A = arith.constant 0 : i32
    %scan3A_3 = arith.constant 0 : i32
    %scan3A_4 = arith.constant 50 : i32
    %scan3A_5 = arith.addi %scan3A_3, %scan3A_4 : i32
    %scan3A_6 = arith.constant 1 : i32
    scf.for %scan3A_22 = %scan3A_3 to %scan3A_5 step %scan3A_6  : i32 {
      %mul3A_23 = arith.constant 128 : i32
      %mul3A_24 = arith.muli %scan3A_22, %mul3A_23 : i32
      %mul3A_25 = arith.constant 128 : i32
      %mul3A_26 = arith.muli %scan3A_22, %mul3A_25 : i32
      %dma_start3A = tpu.memref_slice %arg6[%mul3A_26] : memref<6400xf32, #tpu.memory_space<vmem>> -> memref<128xf32, #tpu.memory_space<vmem>>
      %dma_start3A_27 = tpu.memref_slice %arg5[%mul3A_24] : memref<6400xi32, #tpu.memory_space<vmem>> -> memref<128xi32, #tpu.memory_space<vmem>>
      %dma_start3A_28 = arith.constant 0 : i32
      %dma_start3A_29 = tpu.memref_slice %arg3[%dma_start3A_28] : memref<114688xf32, #tpu.memory_space<hbm>> -> memref<114688xf32, #tpu.memory_space<hbm>>
      tpu.enqueue_indirect_dma source(%dma_start3A_29 : memref<114688xf32, #tpu.memory_space<hbm>>) target(%dma_start3A : memref<128xf32, #tpu.memory_space<vmem>>) offsets(%dma_start3A_27 : memref<128xi32, #tpu.memory_space<vmem>>) semaphore(%arg8 : memref<!tpu.dma_semaphore, #tpu.memory_space<semaphore_mem>>)
    }
    %scan3A_7 = arith.constant 50 : i32
    %scan3A_8 = arith.constant 0 : i32
    %scan3A_9 = arith.constant 0 : i32
    %scan3A_10 = arith.constant 50 : i32
    %scan3A_11 = arith.addi %scan3A_9, %scan3A_10 : i32
    %scan3A_12 = arith.constant 1 : i32
    scf.for %scan3A_22 = %scan3A_9 to %scan3A_11 step %scan3A_12  : i32 {
      %mul3A_23 = arith.constant 128 : i32
      %mul3A_24 = arith.muli %scan3A_22, %mul3A_23 : i32
      %mul3A_25 = arith.constant 128 : i32
      %mul3A_26 = arith.muli %scan3A_22, %mul3A_25 : i32
      %dma_wait3A = tpu.memref_slice %arg6[%mul3A_26] : memref<6400xf32, #tpu.memory_space<vmem>> -> memref<128xf32, #tpu.memory_space<vmem>>
      %dma_wait3A_27 = tpu.memref_slice %arg5[%mul3A_24] : memref<6400xi32, #tpu.memory_space<vmem>> -> memref<128xi32, #tpu.memory_space<vmem>>
      %dma_wait3A_28 = arith.constant 0 : i32
      %dma_wait3A_29 = tpu.memref_slice %arg3[%dma_wait3A_28] : memref<114688xf32, #tpu.memory_space<hbm>> -> memref<114688xf32, #tpu.memory_space<hbm>>
      tpu.wait_indirect_dma semaphore(%arg8 : memref<!tpu.dma_semaphore, #tpu.memory_space<semaphore_mem>>) src(%dma_wait3A_29 : memref<114688xf32, #tpu.memory_space<hbm>>) dst(%dma_wait3A : memref<128xf32, #tpu.memory_space<vmem>>)
    }
    %scan3A_13 = arith.constant 50 : i32
    %broadcast_in_dim3A = arith.constant 0.000000e+00 : f32
    %broadcast_in_dim3A_14 = vector.broadcast %broadcast_in_dim3A : f32 to vector<16xf32>
    %scan3A_15 = arith.constant 0 : i32
    %scan3A_16 = arith.constant 100 : i32
    %scan3A_17 = arith.addi %scan3A_15, %scan3A_16 : i32
    %scan3A_18 = arith.constant 1 : i32
    %scan3A_19 = scf.for %scan3A_22 = %scan3A_15 to %scan3A_17 step %scan3A_18 iter_args(%scan3A_23 = %broadcast_in_dim3A_14) -> (vector<16xf32>)  : i32 {
      %mul3A_24 = arith.constant 4 : i32
      %mul3A_25 = arith.muli %scan3A_22, %mul3A_24 : i32
      %mul3A_26 = arith.constant 16 : i32
      %mul3A_27 = arith.muli %mul3A_25, %mul3A_26 : i32
      %add3A_28 = arith.constant 0 : i32
      %add3A_29 = arith.addi %mul3A_27, %add3A_28 : i32
      %get3A = arith.index_cast %add3A_29 : i32 to index
      %get3A_30 = tpu.vector_load %arg6[%get3A] {strides = array<i32>} : memref<6400xf32, #tpu.memory_space<vmem>>, vector<16xf32>,
      %add3A_31 = arith.addf %scan3A_23, %get3A_30 : vector<16xf32>
      %add3A_32 = arith.constant 16 : i32
      %add3A_33 = arith.addi %mul3A_27, %add3A_32 : i32
      %get3A_34 = arith.index_cast %add3A_33 : i32 to index
      %get3A_35 = tpu.vector_load %arg6[%get3A_34] {strides = array<i32>} : memref<6400xf32, #tpu.memory_space<vmem>>, vector<16xf32>,
      %add3A_36 = arith.addf %add3A_31, %get3A_35 : vector<16xf32>
      %add3A_37 = arith.constant 32 : i32
      %add3A_38 = arith.addi %mul3A_27, %add3A_37 : i32
      %get3A_39 = arith.index_cast %add3A_38 : i32 to index
      %get3A_40 = tpu.vector_load %arg6[%get3A_39] {strides = array<i32>} : memref<6400xf32, #tpu.memory_space<vmem>>, vector<16xf32>,
      %add3A_41 = arith.addf %add3A_36, %get3A_40 : vector<16xf32>
      %add3A_42 = arith.constant 48 : i32
      %add3A_43 = arith.addi %mul3A_27, %add3A_42 : i32
      %get3A_44 = arith.index_cast %add3A_43 : i32 to index
      %get3A_45 = tpu.vector_load %arg6[%get3A_44] {strides = array<i32>} : memref<6400xf32, #tpu.memory_space<vmem>>, vector<16xf32>,
      %add3A_46 = arith.addf %add3A_41, %get3A_45 : vector<16xf32>
      scf.yield %add3A_46 : vector<16xf32>
    }
    %scan3A_20 = arith.constant 100 : i32
    %swap3A = arith.constant 0 : index
    %swap3A_21 = tpu.vector_load %arg7[%swap3A] {strides = array<i32>} : memref<16xf32, #tpu.memory_space<vmem>>, vector<16xf32>,
    tpu.vector_store %arg7[%swap3A], %scan3A_19 {strides = array<i32>} : memref<16xf32, #tpu.memory_space<vmem>>, vector<16xf32>,
    "tpu.region"() ({
      %run_scoped3A = tpu.sem_alloc : memref<!tpu.dma_semaphore, #tpu.memory_space<semaphore_mem>>
      %dma_start3A = arith.constant 0 : i32
      %dma_start3A_22 = tpu.memref_slice %arg4[%add3A, %dma_start3A] : memref<32x16xf32, #tpu.memory_space<hbm>> -> memref<1x16xf32, #tpu.memory_space<hbm>>
      %dma_start3A_23 = tpu.memref_squeeze %dma_start3A_22 : memref<1x16xf32, #tpu.memory_space<hbm>> -> memref<16xf32, #tpu.memory_space<hbm>>
      %dma_start3A_24 = arith.constant 0 : i32
      %dma_start3A_25 = tpu.memref_slice %arg4[%add3A, %dma_start3A_24] : memref<32x16xf32, #tpu.memory_space<hbm>> -> memref<1x16xf32, #tpu.memory_space<hbm>>
      %dma_start3A_26 = tpu.memref_squeeze %dma_start3A_25 : memref<1x16xf32, #tpu.memory_space<hbm>> -> memref<16xf32, #tpu.memory_space<hbm>>
      tpu.enqueue_dma source(%arg7 : memref<16xf32, #tpu.memory_space<vmem>>) target(%dma_start3A_26 : memref<16xf32, #tpu.memory_space<hbm>>) target_semaphore(%run_scoped3A : memref<!tpu.dma_semaphore, #tpu.memory_space<semaphore_mem>>)
      %dma_wait3A = arith.constant 0 : i32
      %dma_wait3A_27 = tpu.memref_slice %arg4[%add3A, %dma_wait3A] : memref<32x16xf32, #tpu.memory_space<hbm>> -> memref<1x16xf32, #tpu.memory_space<hbm>>
      %dma_wait3A_28 = tpu.memref_squeeze %dma_wait3A_27 : memref<1x16xf32, #tpu.memory_space<hbm>> -> memref<16xf32, #tpu.memory_space<hbm>>
      %dma_wait3A_29 = arith.constant 0 : i32
      %dma_wait3A_30 = tpu.memref_slice %arg4[%add3A, %dma_wait3A_29] : memref<32x16xf32, #tpu.memory_space<hbm>> -> memref<1x16xf32, #tpu.memory_space<hbm>>
      %dma_wait3A_31 = tpu.memref_squeeze %dma_wait3A_30 : memref<1x16xf32, #tpu.memory_space<hbm>> -> memref<16xf32, #tpu.memory_space<hbm>>
      tpu.wait_dma2 semaphore(%run_scoped3A : memref<!tpu.dma_semaphore, #tpu.memory_space<semaphore_mem>>) src(%arg7 : memref<16xf32, #tpu.memory_space<vmem>>) dst(%dma_wait3A_31 : memref<16xf32, #tpu.memory_space<hbm>>)
      tpu.yield
    }) : () -> ()
    return
  }
}

module attributes {stable_mosaic.version = 14 : i64} {
  func.func @_rowsum_body(%arg0: i32, %arg1: memref<16384x128xf32, #tpu.memory_space<vmem>>, %arg2: memref<128x128xf32, #tpu.memory_space<vmem>>) attributes {dimension_semantics = [#tpu.dimension_semantics<arbitrary>], iteration_bounds = array<i64: 7>, scalar_prefetch = 0 : i64, scratch_operands = 0 : i64, tpu.core_type = #tpu.core_type<tc>, window_params = [{transform_indices = @transform_0, window_bounds = array<i64: 16384, 128>}, {transform_indices = @transform_1, window_bounds = array<i64: 128, 128>}]} {
    %get3A = arith.constant 0 : index
    %get3A_0 = arith.constant 0 : index
    %get3A_1 = vector.load %arg1[%get3A, %get3A_0] : memref<16384x128xf32, #tpu.memory_space<vmem>>, vector<16384x128xf32>
    %reduce_sum3A = arith.constant dense<0.000000e+00> : vector<16384xf32>
    %reduce_sum3A_2 = vector.multi_reduction <add>, %get3A_1, %reduce_sum3A [1] : vector<16384x128xf32> to vector<16384xf32>
    %reshape3A = vector.shape_cast %reduce_sum3A_2 : vector<16384xf32> to vector<128x128xf32>
    %swap3A = arith.constant 0 : index
    %swap3A_3 = arith.constant 0 : index
    %swap3A_4 = vector.load %arg2[%swap3A, %swap3A_3] : memref<128x128xf32, #tpu.memory_space<vmem>>, vector<128x128xf32>
    tpu.vector_store %arg2[%swap3A, %swap3A_3], %reshape3A {strides = array<i32>} : memref<128x128xf32, #tpu.memory_space<vmem>>, vector<128x128xf32>,
    return
  }
  func.func @transform_0(%arg0: i32) -> (i32, i32) {
    %c0_i32 = arith.constant 0 : i32
    %c0_i32_0 = arith.constant 0 : i32
    return %arg0, %c0_i32 : i32, i32
  }
  func.func @transform_1(%arg0: i32) -> (i32, i32) {
    %c0_i32 = arith.constant 0 : i32
    %c0_i32_0 = arith.constant 0 : i32
    return %arg0, %c0_i32 : i32, i32
  }
}

</mosaic_0001>

<sc_bundles>
// kernel: kernel.4.cloned.1.call-start
scs
__scs_entry_jumppad:
0x0: {  	(pc) =	sbr.rel $0x88, $3  }
0x1: {  	(tag) =	ssettag $0x0;
	lr =	simm.s32 $0x1  }
0x2: {  	[smem:$0x3F9F] =	sst lr;
	_ =	strace $0xD0000000  }
0x3: {  	_ = 	snop  }
0x4: {  	_ = 	snop  }
0x5: {  	_ = 	snop  }
0x6: {  	_ = 	snop  }
0x7: {  	_ = 	snop  }
__scs_overlays_trampoline_lowered:
0x8: {  	[smem:$0x3FAE] =	sst s0  }
0x9: {  	[smem:$0x3FAF] =	sst s1  }
0xa: {  	[smem:$0x3FB0] =	sst s2  }
0xb: {  	[smem:$0x3FB1] =	sst s3  }
0xc: {  	[smem:$0x3FB2] =	sst s4  }
0xd: {  	[smem:$0x3FB3] =	sst s5  }
0xe: {  	[smem:$0x3FB4] =	sst s6  }
0xf: {  	[smem:$0x3FB5] =	sst s7  }
0x10: {  	[smem:$0x3FB6] =	sst s8  }
0x11: {  	[smem:$0x3FB7] =	sst s9;
	s0 =	simm.s32 @!p0 $0x0  }
0x12: {  	s1 =	sld [smem:$0x3F9D];
	s0 =	simm.s32 @p0 $0x1  }
0x13: {  	[smem:$0x3FB8] =	sst s0;
	s0 =	simm.s32 @!p1 $0x0  }
0x14: {  	s2 =	sld [smem:$0x3F9C];
	s0 =	simm.s32 @p1 $0x1  }
0x15: {  	[smem:$0x3FB9] =	sst s0;
	s0 =	simm.s32 @!p2 $0x0  }
0x16: {  	s3 =	sld [smem:$0x3FDB];
	s0 =	simm.s32 @p2 $0x1  }
0x17: {  	s4 =	simm.s32 $0x1BF5;
	[smem:$0x3FBB] =	sst s0  }
0x18: {  	s0 =	sld [smem:$0x3F9E];
	_ =	swait.ge [sflag:s4], $0x0  }
0x19: {  	s7 =	sld [smem:$0x3F9F]  }
0x1a: {  	s8 =	sadd.s32 $0xFFFFE003, lr  }
0x1b: {  	s9 =	sadd.s32 $0xFFFFFEF7, lr;
	s5 =	simm.s32 $0xFFFFFFFF;
	p2 =	slt.u32 s8, $0xFFFFF086  }
0x1c: {  	p1 =	slt.u32 s9, $0xF7A;
	s5 =	simm.s32 @!p2 $0x0  }
0x1d: {  	s5 =	simm.s32 @p1 $0x1;
	p0 =	seq.s32 s7, s2  }
0x1e: {  	s7 =	smul.u32 @!p0 $0xF7A, s2;
	p2 =	seq.s32 @!p0 s5, $0x0  }
0x1f: {  	s9 =	smul.u32 $0xF7A, s1;
	s8 =	simm.s32 @!p0 $0x1BF5;
	p2 =	por !p2, p0  }
0x20: {  	[sflag:s8] =	ssyncset.s32 @!p0 $0xFFFFF086;
	s6 =	sadd.s32 @!p0 s3, s7;
	s7 =	simm.s32 @!p0 $0x108  }
0x21: {  	s3 =	sadd.s32 s3, s9;
	s6 =	sadd.s32 @!p0 $0x88, s6;
	s7 =	simm.s32 @p2 $0x1082  }
0x22: {  	[simem:s7], [sflag:s8] =	dma.local @!p0 [hbm:s6], $0xF7A  }
0x23: {  	s9 =	sor.u32 $0xD0000000, s2;
	s6 =	simm.s32 $0x108;
	_ =	swait.ge @!p0 [sflag:s8], $0x0  }
0x24: {  	s3 =	sadd.s32 $0x88, s3;
	s6 =	simm.s32 @!p1 $0x1082;
	[sflag:s4] =	ssyncset.s32 $0xFFFFF086  }
0x25: {  	[simem:s6], [sflag:s4] =	dma.local [hbm:s3], $0xF7A  }
0x26: {  	[smem:$0x3F9F] =	sst s1;
	(tag) =	ssettag s2;
	_ =	strace s9  }
0x27: {  	s1 =	sld [smem:$0x3FAF]  }
0x28: {  	s2 =	sld [smem:$0x3FB0]  }
0x29: {  	s4 =	sld [smem:$0x3FB2]  }
0x2a: {  	p0 =	seq.s32 s5, $0x0;
	s5 =	sld [smem:$0x3FB3]  }
0x2b: {  	s6 =	sld [smem:$0x3FB4]  }
0x2c: {  	s7 =	sld [smem:$0x3FB5]  }
0x2d: {  	s3 =	simm.s32 $0x108;
	s8 =	sld [smem:$0x3FB6]  }
0x2e: {  	s3 =	simm.s32 @!p0 $0x1082;
	s9 =	sld [smem:$0x3FB7]  }
0x2f: {  	lr =	sadd.s32 s0, s3;
	s0 =	sld [smem:$0x3FAE]  }
0x30: {  	s3 =	sld [smem:$0x3FB1]  }
0x31: {  	[smem:$0x3FBA] =	sst s10  }
0x32: {  	s10 =	sld [smem:$0x3FB8];
	_ =	sdelay $0x3  }
0x33: {  	p0 =	seq.s32 s10, $0x1;
	s10 =	sld [smem:$0x3FBA];
	_ =	sdelay $0x3  }
0x34: {  	[smem:$0x3FBA] =	sst s10  }
0x35: {  	s10 =	sld [smem:$0x3FB9];
	_ =	sdelay $0x3  }
0x36: {  	p1 =	seq.s32 s10, $0x1;
	s10 =	sld [smem:$0x3FBA];
	_ =	sdelay $0x3  }
0x37: {  	[smem:$0x3FBA] =	sst s10  }
0x38: {  	s10 =	sld [smem:$0x3FBB]  }
0x39: {  	_ = 	snop;
	(pc) =	sbr.ind lr, $3  }
0x3a: {  	_ = 	snop  }
0x3b: {  	_ = 	snop  }
0x3c: {  	p2 =	seq.s32 s10, $0x1;
	s10 =	sld [smem:$0x3FBA]  }
0x3d: {  	_ =	shalt  }
0x3e: {  	_ =	shalt  }
0x3f: {  	_ =	shalt  }
0x40: {  	_ =	shalt  }
0x41: {  	_ =	shalt  }
0x42: {  	_ =	shalt  }
0x43: {  	_ =	shalt  }
0x44: {  	_ =	shalt  }
0x45: {  	_ =	shalt  }
0x46: {  	_ =	shalt  }
0x47: {  	_ =	shalt  }
0x48: {  	_ =	shalt  }
0x49: {  	_ =	shalt  }
0x4a: {  	_ =	shalt  }
0x4b: {  	_ =	shalt  }
0x4c: {  	_ =	shalt  }
0x4d: {  	_ =	shalt  }
0x4e: {  	_ =	shalt  }
0x4f: {  	_ =	shalt  }
0x50: {  	_ =	shalt  }
0x51: {  	_ =	shalt  }
0x52: {  	_ =	shalt  }
0x53: {  	_ =	shalt  }
0x54: {  	_ =	shalt  }
0x55: {  	_ =	shalt  }
0x56: {  	_ =	shalt  }
0x57: {  	_ =	shalt  }
0x58: {  	_ =	shalt  }
0x59: {  	_ =	shalt  }
0x5a: {  	_ =	shalt  }
0x5b: {  	_ =	shalt  }
0x5c: {  	_ =	shalt  }
0x5d: {  	_ =	shalt  }
0x5e: {  	_ =	shalt  }
0x5f: {  	_ =	shalt  }
0x60: {  	_ =	shalt  }
0x61: {  	_ =	shalt  }
0x62: {  	_ =	shalt  }
0x63: {  	_ =	shalt  }
0x64: {  	_ =	shalt  }
0x65: {  	_ =	shalt  }
0x66: {  	_ =	shalt  }
0x67: {  	_ =	shalt  }
0x68: {  	_ =	shalt  }
0x69: {  	_ =	shalt  }
0x6a: {  	_ =	shalt  }
0x6b: {  	_ =	shalt  }
0x6c: {  	_ =	shalt  }
0x6d: {  	_ =	shalt  }
0x6e: {  	_ =	shalt  }
0x6f: {  	_ =	shalt  }
0x70: {  	_ =	shalt  }
0x71: {  	_ =	shalt  }
0x72: {  	_ =	shalt  }
0x73: {  	_ =	shalt  }
0x74: {  	_ =	shalt  }
0x75: {  	_ =	shalt  }
0x76: {  	_ =	shalt  }
0x77: {  	_ =	shalt  }
0x78: {  	_ =	shalt  }
0x79: {  	_ =	shalt  }
0x7a: {  	_ =	shalt  }
0x7b: {  	_ =	shalt  }
0x7c: {  	_ =	shalt  }
0x7d: {  	_ =	shalt  }
0x7e: {  	_ =	shalt  }
0x7f: {  	_ =	shalt  }
0x80: {  	_ =	shalt  }
0x81: {  	_ =	shalt  }
0x82: {  	_ =	shalt  }
0x83: {  	_ =	shalt  }
0x84: {  	_ =	shalt  }
0x85: {  	_ =	shalt  }
0x86: {  	_ =	shalt  }
0x87: {  	_ =	shalt  }
.Lfunc_end0:
.L_simem_size_0:
called_computation_lowered:
.L_overlay_start_0:
0x88: {  	s2 =	sld [smem:$0x3FD9]  }
0x89: {  	s3 =	sld [smem:$0x3FFE];
	_ =	sdelay $0x1  }
0x8a: {  	s1 =	srdreg.scid  }
0x8b: {  	s0 =	sand.u32 $0x1, s1  }
0x8c: {  	s16 =	sshll.u32 s0, $0xA;
	s2 =	sadd.s32 s3, s2  }
0x8d: {  	s2 =	sadd.s32 s2, s16  }
0x8e: {  	[smem:$0x3FC6] =	sst s2  }
0x8f: {  	_ = 	snop  }
0x90: {  	(tm) =	ssettm $0x1  }
0x91: {  	s17 =	sld [smem:$0x3FFB];
	_ =	sdelay $0x3  }
0x92: {  	_ =	strace s17  }
0x93: {  	s2 =	sld [smem:$0x3FFC];
	_ =	sdelay $0x3  }
0x94: {  	_ =	strace s2  }
0x95: {  	s2 =	sld [smem:$0x3FFD];
	_ =	sdelay $0x3  }
0x96: {  	_ =	strace s2  }
0x97: {  	_ =	strace $0x8FFFFFFF  }
0x98: {  	s18 =	sld [smem:$0x3FDB];
	_ =	sdelay $0x1  }
0x99: {  	s19 =	simm.s32 $_scs_section_size  }
0x9a: {  	s4 =	simm.s32 $_size__tile_overlayer_lowered;
	s5 =	simm.s32 $_tile_overlayer_lowered  }
0x9b: {  	s22 =	simm.s32 $0x1BFF;
	s21 =	sshll.u32 s5, $0x1;
	s2 =	sadd.s32 s19, s18  }
0x9c: {  	s6 =	simm.s32 $0x0;
	s20 =	sshll.u32 s4, $0x1;
	s4 =	sadd.s32 s21, s2  }
0x9d: {  	[timem:s6], [sflag:s22] =	dma.local [hbm:s4], s20  }
0x9e: {  	_ =	swait.ge [sflag:s22], s20  }
0x9f: {  	s3 =	ssub.s32 $0x0, s20;
	[sflag:s22] =	ssyncset.done $0x0  }
0xa0: {  	[sflag:s22] =	ssyncadd.s32 s3;
	_ =	sdelay $0x1  }
0xa1: {  	s23 =	simm.s32 $0x1B8B  }
0xa2: {  	_ =	swait.ge [sflag:s23], $0x1  }
0xa3: {  	[sflag:s23] =	ssyncset.done $0x0  }
0xa4: {  	s25 =	simm.s32 $0x1B8E;
	s24 =	sld [smem:$0x3FFE];
	[sflag:s23] =	ssyncadd.s32 $0xFFFFFFFF  }
0xa5: {  	s26 =	simm.s32 $execute0_lowered;
	[smem:$0x3FD2] =	sst s25  }
0xa6: {  	s4 =	sshll.u32 s26, $0x1;
	_ =	strace $0x80000046;
	[dreg:$0x1] =	wrdreg $0xFFFFFFFF  }
0xa7: {  	s28 =	simm.s32 $_size_execute0_lowered;
	s2 =	sadd.s32 s2, s4;
	[dreg:$0x0] =	wrdreg $0x0  }
0xa8: {  	s4 =	sshll.u32 s28, $0x1;
	[dreg:$0x2] =	wrdreg s2  }
0xa9: {  	[dreg:$0x3] =	wrdreg s4  }
0xaa: {  	[dreg:$0x4] =	wrdreg $0xC0  }
0xab: {  	_ =	task [dreg:s6], $0x5FFFF  }
0xac: {  	[dreg:$0x1] =	wrdreg $0xFFFFFFFF  }
0xad: {  	[dreg:$0x0] =	wrdreg $0x60  }
0xae: {  	[dreg:$0x2] =	wrdreg s24  }
0xaf: {  	[dreg:$0x3] =	wrdreg $0x9  }
0xb0: {  	_ =	task.clear_ibuf [dreg:s6], $0x4FFFF;
	_ =	strace $0x90000046  }
0xb1: {  	s29 =	simm.s32 $0x9;
	_ =	strace $0x80000048  }
0xb2: {  	_ =	swait.ge [sflag:s29], $0x1  }
0xb3: {  	[sflag:s29] =	ssyncadd.s32 $0xFFFFFFFF  }
0xb4: {  	_ =	strace $0x90000048  }
0xb5: {  	_ =	sfence  }
0xb6: {  	s30 =	sld [smem:$0x0];
	_ =	sdelay $0x2  }
0xb7: {  	s31 =	sshll.u32 s1, $0xD;
	s1 =	sshrl.u32 s1, $0x2  }
0xb8: {  	s3 =	sand.u32 $0x4000, s31;
	s1 =	sadd.s32 s1, s30  }
0xb9: {  	s0 =	sor.u32 s3, s0;
	s1 =	sshll.u32 s1, $0x11  }
0xba: {  	s0 =	sor.u32 s1, s0  }
0xbb: {  	s0 =	sadd.s32 $0x8F2B, s0  }
0xbc: {  	[sflag:s0] =	ssyncadd.remote.s32 $0x1  }
0xbd: {  	_ =	sfence.sel $0xFFFF  }
0xbe: {  	[dreg:$0x0] =	wrdreg $0xFFFFFFFF;
	(pc) =	sbr.abs _section_cstart, $3  }
0xbf: {  	[dreg:$0x1] =	wrdreg $0xFFFFFFFF  }
0xc0: {  	_ =	task.clear_ibuf [dreg:s6], $0x2FFFF;
	_ =	strace $0x9FFFFFFF  }
0xc1: {  	(tm) =	ssettm $0x7FFFFFFF  }
tec
execute0_lowered:
.L_overlay_start_1:
0x0: {  	(tag) =	ssettag $0x1  }
0x1: {  	s1 =	srdreg.scid;
	s0 =	stileid.u32  }
0x2: {  	s4 =	rddreg [dreg:$0x0];
	s2 =	simm.s32 $0x0;
	s8 =	simm.s32 $0x80  }
0x3: {  	s9 =	simm.s32 $0x1;
	s10 =	simm.s32 $0x3200;
	s11 =	simm.s32 $0x0  }
0x4: {  	s3 =	sand.u32 $0x1, s1;
	s5 =	sshll.u32 s0, $0x1;
	[smem:$0x7FF] =	sst s2  }
0x5: {  	s1 =	rddreg [dreg:$0x1];
	s5 =	sor.u32 s3, s5;
	_ =	strace $0x80000047  }
0x6: {  	s7 =	ssub.s32 $0x2, s3;
	s6 =	smul.u32 $0x320, s5;
	s5 =	sshll.u32 s5, $0x4  }
0x7: {  	s3 =	sadd.s32 $0x6600, s4;
	s31 =	sshrl.u32 s7, $0x1;
	s5 =	sadd.s32 s5, s4  }
0x8: {  	s7 =	ssub.s32 s7, s31;
	s6 =	sadd.s32 s6, s4;
	s5 =	sadd.s32 $0x9E00, s5  }
0x9: {  	s4 =	sadd.s32 $0x200, s6;
	s6 =	smax.u32 s7, $0x1;
	s7 =	simm.s32 $0x2  }
.LBB2_1:
0xa: {  	[tilespmem:s2], [sflag:$0x2] =	stream.linear.gather [hbm4b:s4+s2], $0x1900, $0x38;
	[tilespmem:$0x3280] =	vst v63  }
0xb: {  	_ =	swait.ge [sflag:s7], $0x1900  }
0xc: {  	[sflag:s7] =	ssyncset.done $0x0  }
0xd: {  	s12 =	simm.s32 $0x0;
	[sflag:s7] =	ssyncadd.s32 $0xFFFFE700  }
.LBB2_2:
0xe: {  	p0 =	sne.s32 s12, $0x6200  }
.Ltmp0:
0xf: {  	_ = 	snop;
	(pc) =	sbr.rel @p0 .LBB2_2-.Ltmp0, $4  }
0x10: {  	_ = 	snop  }
0x11: {  	s13 =	sshra.s32 s12, $0x2  }
0x12: {  	s12 =	sadd.s32 $0x200, s12;
	s14 =	sadd.s32 $0x1900, s13  }
0x13: {  	[tilespmem:s14], [sflag:$0x1] =	stream.indirect.gather [hbm4b:s3+s8], $0x1, s13, s8, $0xb8;
	[tilespmem:$0x3280] =	vst v63  }
0x14: {  	s12 =	simm.s32 $0x32  }
.LBB2_4:
0x15: {  	p0 =	sne.s32 s12, $0x1  }
.Ltmp1:
0x16: {  	_ = 	snop;
	(pc) =	sbr.rel @p0 .LBB2_4-.Ltmp1, $4  }
0x17: {  	_ = 	snop  }
0x18: {  	_ =	swait.ge [sflag:s9], $0x80  }
0x19: {  	[sflag:s9] =	ssyncset.done $0x0  }
0x1a: {  	s12 =	sadd.s32 $0xFFFFFFFF, s12;
	[sflag:s9] =	ssyncadd.s32 $0xFFFFFF80  }
0x1b: {  	s12 =	simm.s32 $0x0  }
0x1c: {  	v0 =	vld [tilespmem:s12+$0x1900];
	_ =	sdelay $0x2  }
0x1d: {  	v2 =	vld [tilespmem:s12+$0x1910]  }
0x1e: {  	v1 =	vimm.f32 $0.0e+00  }
0x1f: {  	v3 =	vadd.f32 v0, v1;
	v1 =	vld [tilespmem:s12+$0x1920];
	_ =	sdelay $0x1  }
0x20: {  	v0 =	vld [tilespmem:s12+$0x1930]  }
0x21: {  	s13 =	simm.s32 $0x200;
	s12 =	simm.s32 $0x40;
	v2 =	vadd.f32 v2, v3  }
.LBB2_6:
0x22: {  	p0 =	sne.s32 s13, $0x6300;
	v3 =	vld [tilespmem:s12+$0x1900]  }
0x23: {  	v1 =	vadd.f32 v1, v2  }
0x24: {  	v2 =	vld [tilespmem:s12+$0x1910]  }
.Ltmp2:
0x25: {  	v0 =	vadd.f32 v0, v1;
	(pc) =	sbr.rel @p0 .LBB2_6-.Ltmp2, $4  }
0x26: {  	v1 =	vld [tilespmem:s12+$0x1920]  }
0x27: {  	v3 =	vadd.f32 v3, v0  }
0x28: {  	v0 =	vld [tilespmem:s12+$0x1930]  }
0x29: {  	s12 =	sshra.s32 s13, $0x2;
	s13 =	sadd.s32 $0x100, s13;
	v2 =	vadd.f32 v2, v3  }
0x2a: {  	v3 =	vld [tilespmem:s12+$0x1900]  }
0x2b: {  	v1 =	vadd.f32 v1, v2  }
0x2c: {  	v61 =	vld [tilespmem:s12+$0x1910]  }
0x2d: {  	v0 =	vadd.f32 v0, v1  }
0x2e: {  	v62 =	vld [tilespmem:s12+$0x1920]  }
0x2f: {  	v0 =	vadd.f32 v3, v0  }
0x30: {  	v63 =	vld [tilespmem:s12+$0x1930]  }
0x31: {  	v0 =	vadd.f32 v61, v0;
	_ =	sdelay $0x1  }
0x32: {  	v0 =	vadd.f32 v62, v0;
	_ =	sdelay $0x1  }
0x33: {  	s11 =	sadd.s32 $0x1, s11;
	v0 =	vadd.f32 v63, v0  }
0x34: {  	p0 =	sne.s32 s11, s6  }
.Ltmp3:
0x35: {  	[tilespmem:$0x3200] =	vst v0;
	(pc) =	sbr.rel @p0 .LBB2_1-.Ltmp3, $4  }
0x36: {  	[hbm4b:s5+s2] =	stream.linear.scatter [tilespmem:s10], [sflag:$0x2], $0x80, $0x38;
	[tilespmem:$0x3280] =	vst v63  }
0x37: {  	_ =	swait.ge [sflag:s7], $0x80  }
0x38: {  	[sflag:s7] =	ssyncset.done $0x0  }
0x39: {  	[sflag:s7] =	ssyncadd.s32 $0xFFFFFF80  }
0x3a: {  	_ =	sfence.sel $0x180000  }
0x3b: {  	[bflag:$0x0] =	sbarrier.arrive $0xFFFF  }
0x3c: {  	p0 =	sne.s32 s0, $0x0;
	_ =	strace $0x90000047  }
0x3d: {  	s0 =	sadd.s32 @!p0 $0x100000, s1;
	[bflag:$0x2] =	sbarrier.arrive $0xFFFF  }
0x3e: {  	[sflag:s0] =	ssyncadd.tile.s32 @!p0 $0x1;
	_ =	shalt  }
.Lfunc_end2:
_tile_overlayer_lowered:
.L_overlay_start_2:
0x3f: {  	(tag) =	ssettag $0x2  }
0x40: {  	s0 =	rddreg [dreg:$0x0];
	s2 =	stileid.u32  }
0x41: {  	s1 =	rddreg [dreg:$0x1];
	p0 =	sne.s32 s2, $0x0  }
0x42: {  	s3 =	rddreg [dreg:$0x2];
	[bflag:$0x3] =	sbarrier.arrive $0xFFFF;
	s2 =	simm.s32 @!p0 $0x1C02  }
0x43: {  	[timem:s3], [sflag:s2] =	dma.local @!p0 [hbm:s0], s1  }
0x44: {  	s0 =	simm.s32 @!p0 $0x2  }
0x45: {  	_ =	swait.ge @!p0 [sflag:s0], s1  }
0x46: {  	s1 =	ssub.s32 @!p0 $0x0, s1;
	[sflag:s0] =	ssyncset.done @!p0 $0x0  }
0x47: {  	[sflag:s0] =	ssyncadd.s32 @!p0 s1  }
0x48: {  	[bflag:$0x3] =	sbarrier.arrive $0xFFFF  }
0x49: {  	_ =	shalt  }

</sc_bundles>
